<compile_context>
chip_gen: v7x
topology: tpu7x:2x2x1
jax: 0.10.2.dev20260603
libtpu: 0.0.44.dev20260713+nightly
codegen_flags: <defaults>
</compile_context>

<pallas_src>
import jax
import jax.numpy as jnp
from jax.experimental import pallas as pl
from jax.experimental.pallas import tpu as pltpu

_NE = 1024
_ED = 256
_B = 32
_T = 1024
_N = _B * _T
_TN = 512
_GRID = _N // _TN
_CC = 0.25


def _vq_tile_kernel(xt_ref, w_ref, wt_ref, w2_ref,
                    dist_ref, enc_ref, qt_ref, idx_ref, loss_ref, perp_ref,
                    hist_ref, msum_ref):
    j = pl.program_id(0)

    @pl.when(j == 0)
    def _init():
        hist_ref[...] = jnp.zeros_like(hist_ref)
        msum_ref[...] = jnp.zeros_like(msum_ref)

    x = xt_ref[...].T
    w = w_ref[...]
    xw = jax.lax.dot_general(x, w, (((1,), (1,)), ((), ())),
                             preferred_element_type=jnp.float32)
    x2 = jnp.sum(x * x, axis=1, keepdims=True)
    dist = (x2 + w2_ref[...]) - 2.0 * xw
    dist_ref[...] = dist.reshape(_TN // 128, 1024, 128)

    mn = jnp.min(dist, axis=1, keepdims=True)
    iota_l = jax.lax.broadcasted_iota(jnp.int32, (_TN, _NE), 1)
    idx = jnp.min(jnp.where(dist == mn, iota_l, _NE), axis=1).astype(jnp.int32)
    idx_ref[...] = idx[None, None, :]

    onehot = (iota_l == idx[:, None]).astype(jnp.float32)
    enc_ref[...] = onehot.reshape(_TN // 128, 1024, 128)

    iota_s = jax.lax.broadcasted_iota(jnp.int32, (_NE, _TN), 0)
    onehot_t = (iota_s == idx[None, :]).astype(jnp.float32)
    qt_ref[...] = jax.lax.dot_general(wt_ref[...], onehot_t,
                                      (((1,), (0,)), ((), ())),
                                      preferred_element_type=jnp.float32)

    hist_ref[...] += jnp.sum(onehot, axis=0, keepdims=True)
    msum_ref[...] += jnp.sum(mn).reshape(1, 1)

    @pl.when(j == _GRID - 1)
    def _fin():
        avg = hist_ref[...] / _N
        ent = jnp.sum(avg * jnp.log(avg + 1e-10))
        perp_ref[...] = jnp.exp(-ent).reshape(1, 1)
        m = msum_ref[...] / (_N * _ED)
        loss_ref[...] = m + _CC * m


def kernel(inputs, W, compute_distances_if_possible):
    del compute_distances_if_possible
    xt = inputs.reshape(_ED, _N)
    w2 = jnp.sum(W ** 2, axis=1)[None, :]
    wt = W.T

    dist, enc, qt, idxo, loss, perp = pl.pallas_call(
        _vq_tile_kernel,
        grid=(_GRID,),
        in_specs=[
            pl.BlockSpec((_ED, _TN), lambda j: (0, j)),
            pl.BlockSpec((_NE, _ED), lambda j: (0, 0)),
            pl.BlockSpec((_ED, _NE), lambda j: (0, 0)),
            pl.BlockSpec((1, _NE), lambda j: (0, 0)),
        ],
        out_specs=[
            pl.BlockSpec((_TN // 128, 1024, 128), lambda j: (j, 0, 0)),
            pl.BlockSpec((_TN // 128, 1024, 128), lambda j: (j, 0, 0)),
            pl.BlockSpec((_ED, _TN), lambda j: (0, j)),
            pl.BlockSpec((1, 1, _TN), lambda j: (j, 0, 0)),
            pl.BlockSpec((1, 1), lambda j: (0, 0)),
            pl.BlockSpec((1, 1), lambda j: (0, 0)),
        ],
        out_shape=[
            jax.ShapeDtypeStruct((_ED, 1024, 128), jnp.float32),
            jax.ShapeDtypeStruct((_ED, 1024, 128), jnp.float32),
            jax.ShapeDtypeStruct((_ED, _N), jnp.float32),
            jax.ShapeDtypeStruct((_GRID, 1, _TN), jnp.int32),
            jax.ShapeDtypeStruct((1, 1), jnp.float32),
            jax.ShapeDtypeStruct((1, 1), jnp.float32),
        ],
        scratch_shapes=[
            pltpu.VMEM((1, _NE), jnp.float32),
            pltpu.VMEM((1, 1), jnp.float32),
        ],
    )(xt, W, wt, w2)

    vq_loss = loss[0, 0]
    quantized_out = qt.reshape(_ED, _B, _T)
    perplexity = perp[0, 0]
    encodings_view = enc
    distances_view = dist
    return (vq_loss, quantized_out, perplexity, encodings_view,
            distances_view, idxo.reshape(_N, 1))

# --- scband reference (transcript-rebuilt; emitter-appended) ---
"""Pipeline reference for scband-vector-quantizer-40020505264472 (READ-ONLY COPY).

The authoritative reference and input builder live on the scoring server;
editing this copy changes nothing except your own understanding.
"""

import jax, jax.numpy as jnp
import numpy as np

NUM_EMBEDDINGS = 1024
EMBEDDING_DIM = 256
COMMITMENT_COST = 0.25
B = 32
T = 1024


def setup_inputs(seed: int = 0) -> dict:
    key = jax.random.key(seed)
    k1, k2 = jax.random.split(key)
    inputs = jax.random.normal(k1, (EMBEDDING_DIM, B, T), dtype=jnp.float32)
    W = jax.random.uniform(k2, (NUM_EMBEDDINGS, EMBEDDING_DIM), minval=-1.0 / NUM_EMBEDDINGS, maxval=1.0 / NUM_EMBEDDINGS, dtype=jnp.float32)
    return {"inputs": inputs, "W": W, "compute_distances_if_possible": 0}


def reference(inputs, W, compute_distances_if_possible):
    # inputs: [D, B, T] -> permute(1,2,0) -> [B, T, D]
    x = jnp.transpose(inputs, (1, 2, 0))
    input_shape = x.shape
    _, time, batch_size = input_shape  # matches torch unpacking: time=T, batch_size=D
    flat_input = x.reshape(-1, EMBEDDING_DIM)  # [N, D], N = B*T
    distances = (jnp.sum(flat_input ** 2, axis=1, keepdims=True)
                 + jnp.sum(W ** 2, axis=1)
                 - 2.0 * jnp.matmul(flat_input, W.T))  # [N, K]
    encoding_indices = jnp.argmin(distances, axis=1)  # [N]
    encodings = jax.nn.one_hot(encoding_indices, NUM_EMBEDDINGS, dtype=jnp.float32)  # [N, K]
    quantized = jnp.matmul(encodings, W).reshape(input_shape)  # [B, T, D]
    e_latent_loss = jnp.mean((jax.lax.stop_gradient(quantized) - x) ** 2)
    q_latent_loss = jnp.mean((quantized - jax.lax.stop_gradient(x)) ** 2)
    commitment_loss = COMMITMENT_COST * e_latent_loss
    vq_loss = q_latent_loss + commitment_loss
    quantized_st = x + jax.lax.stop_gradient(quantized - x)
    quantized_out = jnp.transpose(quantized_st, (2, 0, 1))  # back to [D, B, T]
    avg_probs = jnp.mean(encodings, axis=0)
    perplexity = jnp.exp(-jnp.sum(avg_probs * jnp.log(avg_probs + 1e-10)))
    encodings_view = encodings.reshape(batch_size, time, -1)
    distances_view = distances.reshape(batch_size, time, -1)
    return (vq_loss, quantized_out, perplexity, encodings_view, distances_view, encoding_indices[:, None])

if __name__ == "__main__":
    import jax
    _d = setup_inputs()
    print(jax.jit(kernel)(*tuple(_d.values())))

</pallas_src>

<mosaic_0001>
module attributes {stable_mosaic.version = 14 : i64} {
  func.func @_vq_tile_kernel(%arg0: i32, %arg1: memref<256x512xf32, #tpu.memory_space<vmem>>, %arg2: memref<1024x256xf32, #tpu.memory_space<vmem>>, %arg3: memref<256x1024xf32, #tpu.memory_space<vmem>>, %arg4: memref<1x1024xf32, #tpu.memory_space<vmem>>, %arg5: memref<4x1024x128xf32, #tpu.memory_space<vmem>>, %arg6: memref<4x1024x128xf32, #tpu.memory_space<vmem>>, %arg7: memref<256x512xf32, #tpu.memory_space<vmem>>, %arg8: memref<1x1x512xi32, #tpu.memory_space<vmem>>, %arg9: memref<1x1xf32, #tpu.memory_space<vmem>>, %arg10: memref<1x1xf32, #tpu.memory_space<vmem>>, %arg11: memref<1x1024xf32, #tpu.memory_space<vmem>>, %arg12: memref<1x1xf32, #tpu.memory_space<vmem>>) attributes {dimension_semantics = [#tpu.dimension_semantics<arbitrary>], iteration_bounds = array<i64: 64>, scalar_prefetch = 0 : i64, scratch_operands = 2 : i64, tpu.core_type = #tpu.core_type<tc>, window_params = [{transform_indices = @transform_0, window_bounds = array<i64: 256, 512>}, {pipeline_mode = #tpu.pipeline_mode<synchronous>, transform_indices = @transform_1, window_bounds = array<i64: 1024, 256>}, {pipeline_mode = #tpu.pipeline_mode<synchronous>, transform_indices = @transform_2, window_bounds = array<i64: 256, 1024>}, {pipeline_mode = #tpu.pipeline_mode<synchronous>, transform_indices = @transform_3, window_bounds = array<i64: 1, 1024>}, {transform_indices = @transform_4, window_bounds = array<i64: 4, 1024, 128>}, {transform_indices = @transform_5, window_bounds = array<i64: 4, 1024, 128>}, {transform_indices = @transform_6, window_bounds = array<i64: 256, 512>}, {transform_indices = @transform_7, window_bounds = array<i64: 1, 1, 512>}, {pipeline_mode = #tpu.pipeline_mode<synchronous>, transform_indices = @transform_8, window_bounds = array<i64: 1, 1>}, {pipeline_mode = #tpu.pipeline_mode<synchronous>, transform_indices = @transform_9, window_bounds = array<i64: 1, 1>}]} {
    %eq3A = arith.constant 0 : i32
    %eq3A_0 = arith.cmpi eq, %arg0, %eq3A : i32
    %convert_element_type3A = arith.extui %eq3A_0 : i1 to i32
    %cond3A = arith.constant 0 : i32
    %cond3A_1 = arith.cmpi ne, %convert_element_type3A, %cond3A : i32
    scf.if %cond3A_1 {
      %broadcast_in_dim3A_84 = arith.constant 0.000000e+00 : f32
      %broadcast_in_dim3A_85 = vector.broadcast %broadcast_in_dim3A_84 : f32 to vector<1x1024xf32>
      %swap3A_86 = arith.constant 0 : index
      %swap3A_87 = arith.constant 0 : index
      %swap3A_88 = vector.load %arg11[%swap3A_86, %swap3A_87] : memref<1x1024xf32, #tpu.memory_space<vmem>>, vector<1x1024xf32>
      tpu.vector_store %arg11[%swap3A_86, %swap3A_87], %broadcast_in_dim3A_85 {strides = array<i32>} : memref<1x1024xf32, #tpu.memory_space<vmem>>, vector<1x1024xf32>,
      %broadcast_in_dim3A_89 = arith.constant 0.000000e+00 : f32
      %broadcast_in_dim3A_90 = vector.broadcast %broadcast_in_dim3A_89 : f32 to vector<1x1xf32>
      %swap3A_91 = arith.constant 0 : index
      %swap3A_92 = arith.constant 0 : index
      %swap3A_93 = vector.load %arg12[%swap3A_91, %swap3A_92] : memref<1x1xf32, #tpu.memory_space<vmem>>, vector<1x1xf32>
      tpu.vector_store %arg12[%swap3A_91, %swap3A_92], %broadcast_in_dim3A_90 {strides = array<i32>} : memref<1x1xf32, #tpu.memory_space<vmem>>, vector<1x1xf32>,
    } else {
    }
    %get3A = arith.constant 0 : index
    %get3A_2 = arith.constant 0 : index
    %get3A_3 = vector.load %arg1[%get3A, %get3A_2] : memref<256x512xf32, #tpu.memory_space<vmem>>, vector<256x512xf32>
    %transpose3A = tpu.transpose %get3A_3, [1, 0] : vector<256x512xf32> -> vector<512x256xf32>
    %get3A_4 = arith.constant 0 : index
    %get3A_5 = arith.constant 0 : index
    %get3A_6 = vector.load %arg2[%get3A_4, %get3A_5] : memref<1024x256xf32, #tpu.memory_space<vmem>>, vector<1024x256xf32>
    %dot_general3A = arith.constant dense<0.000000e+00> : vector<512x1024xf32>
    %dot_general3A_7 = tpu.matmul %transpose3A, %get3A_6, %dot_general3A {dimension_numbers = #tpu.dot_dimension_numbers<[1], [1], [0], [0], [0, 0, 1, 0], [], []>, transpose_lhs_hint = false} : vector<512x256xf32>, vector<1024x256xf32>, vector<512x1024xf32> -> vector<512x1024xf32>
    %mul3A = arith.mulf %transpose3A, %transpose3A : vector<512x256xf32>
    %reduce_sum3A = arith.constant dense<0.000000e+00> : vector<512xf32>
    %reduce_sum3A_8 = vector.multi_reduction <add>, %mul3A, %reduce_sum3A [1] : vector<512x256xf32> to vector<512xf32>
    %broadcast_in_dim3A = vector.shape_cast %reduce_sum3A_8 : vector<512xf32> to vector<512x1xf32>
    %get3A_9 = arith.constant 0 : index
    %get3A_10 = arith.constant 0 : index
    %get3A_11 = vector.load %arg4[%get3A_9, %get3A_10] : memref<1x1024xf32, #tpu.memory_space<vmem>>, vector<1x1024xf32>
    %add3A = vector.broadcast %broadcast_in_dim3A : vector<512x1xf32> to vector<512x1024xf32>
    %add3A_12 = vector.broadcast %get3A_11 : vector<1x1024xf32> to vector<512x1024xf32>
    %add3A_13 = arith.addf %add3A, %add3A_12 : vector<512x1024xf32>
    %mul3A_14 = arith.constant 2.000000e+00 : f32
    %mul3A_15 = vector.broadcast %mul3A_14 : f32 to vector<512x1024xf32>
    %mul3A_16 = arith.mulf %mul3A_15, %dot_general3A_7 : vector<512x1024xf32>
    %sub3A = arith.subf %add3A_13, %mul3A_16 : vector<512x1024xf32>
    %reshape3A = vector.shape_cast %sub3A : vector<512x1024xf32> to vector<4x1024x128xf32>
    %swap3A = arith.constant 0 : index
    %swap3A_17 = arith.constant 0 : index
    %swap3A_18 = arith.constant 0 : index
    %swap3A_19 = vector.load %arg5[%swap3A, %swap3A_17, %swap3A_18] : memref<4x1024x128xf32, #tpu.memory_space<vmem>>, vector<4x1024x128xf32>
    tpu.vector_store %arg5[%swap3A, %swap3A_17, %swap3A_18], %reshape3A {strides = array<i32>} : memref<4x1024x128xf32, #tpu.memory_space<vmem>>, vector<4x1024x128xf32>,
    %reduce_min3A = arith.constant dense<0x7F800000> : vector<512xf32>
    %reduce_min3A_20 = vector.multi_reduction <minimumf>, %sub3A, %reduce_min3A [1] : vector<512x1024xf32> to vector<512xf32>
    %broadcast_in_dim3A_21 = vector.shape_cast %reduce_min3A_20 : vector<512xf32> to vector<512x1xf32>
    %iota3A = tpu.iota {dimensions = array<i32: 1>} : vector<512x1024xi32>
    %eq3A_22 = vector.broadcast %broadcast_in_dim3A_21 : vector<512x1xf32> to vector<512x1024xf32>
    %eq3A_23 = arith.cmpf oeq, %sub3A, %eq3A_22 : vector<512x1024xf32>
    %jit3A = arith.constant 1024 : i32
    %broadcast_in_dim3A_24 = vector.broadcast %jit3A : i32 to vector<512x1024xi32>
    %select_n3A = arith.select %eq3A_23, %iota3A, %broadcast_in_dim3A_24 : vector<512x1024xi1>, vector<512x1024xi32>
    %reduce_min3A_25 = arith.constant dense<2147483647> : vector<512xi32>
    %reduce_min3A_26 = vector.multi_reduction <minsi>, %select_n3A, %reduce_min3A_25 [1] : vector<512x1024xi32> to vector<512xi32>
    %broadcast_in_dim3A_27 = vector.shape_cast %reduce_min3A_26 : vector<512xi32> to vector<1x1x512xi32>
    %swap3A_28 = arith.constant 0 : index
    %swap3A_29 = arith.constant 0 : index
    %swap3A_30 = arith.constant 0 : index
    %swap3A_31 = vector.load %arg8[%swap3A_28, %swap3A_29, %swap3A_30] : memref<1x1x512xi32, #tpu.memory_space<vmem>>, vector<1x1x512xi32>
    tpu.vector_store %arg8[%swap3A_28, %swap3A_29, %swap3A_30], %broadcast_in_dim3A_27 {strides = array<i32>} : memref<1x1x512xi32, #tpu.memory_space<vmem>>, vector<1x1x512xi32>,
    %broadcast_in_dim3A_32 = vector.shape_cast %reduce_min3A_26 : vector<512xi32> to vector<512x1xi32>
    %eq3A_33 = vector.broadcast %broadcast_in_dim3A_32 : vector<512x1xi32> to vector<512x1024xi32>
    %eq3A_34 = arith.cmpi eq, %iota3A, %eq3A_33 : vector<512x1024xi32>
    %convert_element_type3A_35 = arith.extui %eq3A_34 : vector<512x1024xi1> to vector<512x1024xi32>
    %convert_element_type3A_36 = arith.sitofp %convert_element_type3A_35 : vector<512x1024xi32> to vector<512x1024xf32>
    %reshape3A_37 = vector.shape_cast %convert_element_type3A_36 : vector<512x1024xf32> to vector<4x1024x128xf32>
    %swap3A_38 = arith.constant 0 : index
    %swap3A_39 = arith.constant 0 : index
    %swap3A_40 = arith.constant 0 : index
    %swap3A_41 = vector.load %arg6[%swap3A_38, %swap3A_39, %swap3A_40] : memref<4x1024x128xf32, #tpu.memory_space<vmem>>, vector<4x1024x128xf32>
    tpu.vector_store %arg6[%swap3A_38, %swap3A_39, %swap3A_40], %reshape3A_37 {strides = array<i32>} : memref<4x1024x128xf32, #tpu.memory_space<vmem>>, vector<4x1024x128xf32>,
    %iota3A_42 = tpu.iota {dimensions = array<i32: 0>} : vector<1024x512xi32>
    %broadcast_in_dim3A_43 = vector.shape_cast %reduce_min3A_26 : vector<512xi32> to vector<1x512xi32>
    %eq3A_44 = vector.broadcast %broadcast_in_dim3A_43 : vector<1x512xi32> to vector<1024x512xi32>
    %eq3A_45 = arith.cmpi eq, %iota3A_42, %eq3A_44 : vector<1024x512xi32>
    %convert_element_type3A_46 = arith.extui %eq3A_45 : vector<1024x512xi1> to vector<1024x512xi32>
    %convert_element_type3A_47 = arith.sitofp %convert_element_type3A_46 : vector<1024x512xi32> to vector<1024x512xf32>
    %get3A_48 = arith.constant 0 : index
    %get3A_49 = arith.constant 0 : index
    %get3A_50 = vector.load %arg3[%get3A_48, %get3A_49] : memref<256x1024xf32, #tpu.memory_space<vmem>>, vector<256x1024xf32>
    %dot_general3A_51 = arith.constant dense<0.000000e+00> : vector<256x512xf32>
    %dot_general3A_52 = tpu.matmul %get3A_50, %convert_element_type3A_47, %dot_general3A_51 {dimension_numbers = #tpu.dot_dimension_numbers<[1], [0], [0], [1], [0, 0, 1, 1], [], []>, transpose_lhs_hint = false} : vector<256x1024xf32>, vector<1024x512xf32>, vector<256x512xf32> -> vector<256x512xf32>
    %swap3A_53 = arith.constant 0 : index
    %swap3A_54 = arith.constant 0 : index
    %swap3A_55 = vector.load %arg7[%swap3A_53, %swap3A_54] : memref<256x512xf32, #tpu.memory_space<vmem>>, vector<256x512xf32>
    tpu.vector_store %arg7[%swap3A_53, %swap3A_54], %dot_general3A_52 {strides = array<i32>} : memref<256x512xf32, #tpu.memory_space<vmem>>, vector<256x512xf32>,
    %get3A_56 = arith.constant 0 : index
    %get3A_57 = arith.constant 0 : index
    %get3A_58 = vector.load %arg11[%get3A_56, %get3A_57] : memref<1x1024xf32, #tpu.memory_space<vmem>>, vector<1x1024xf32>
    %reduce_sum3A_59 = arith.constant dense<0.000000e+00> : vector<1024xf32>
    %reduce_sum3A_60 = vector.multi_reduction <add>, %convert_element_type3A_36, %reduce_sum3A_59 [0] : vector<512x1024xf32> to vector<1024xf32>
    %broadcast_in_dim3A_61 = vector.shape_cast %reduce_sum3A_60 : vector<1024xf32> to vector<1x1024xf32>
    %add3A_62 = arith.addf %get3A_58, %broadcast_in_dim3A_61 : vector<1x1024xf32>
    %swap3A_63 = arith.constant 0 : index
    %swap3A_64 = arith.constant 0 : index
    %swap3A_65 = vector.load %arg11[%swap3A_63, %swap3A_64] : memref<1x1024xf32, #tpu.memory_space<vmem>>, vector<1x1024xf32>
    tpu.vector_store %arg11[%swap3A_63, %swap3A_64], %add3A_62 {strides = array<i32>} : memref<1x1024xf32, #tpu.memory_space<vmem>>, vector<1x1024xf32>,
    %get3A_66 = arith.constant 0 : index
    %get3A_67 = arith.constant 0 : index
    %get3A_68 = vector.load %arg12[%get3A_66, %get3A_67] : memref<1x1xf32, #tpu.memory_space<vmem>>, vector<1x1xf32>
    %reduce_sum3A_69 = vector.shape_cast %broadcast_in_dim3A_21 : vector<512x1xf32> to vector<1x512x1xf32>
    %reduce_sum3A_70 = arith.constant dense<0.000000e+00> : vector<1xf32>
    %reduce_sum3A_71 = vector.multi_reduction <add>, %reduce_sum3A_69, %reduce_sum3A_70 [1, 2] : vector<1x512x1xf32> to vector<1xf32>
    %reduce_sum3A_72 = vector.shape_cast %reduce_sum3A_71 : vector<1xf32> to vector<1x1x1xf32>
    %reduce_sum3A_73 = vector.extract %reduce_sum3A_72[0, 0, 0] : f32 from vector<1x1x1xf32>
    %reshape3A_74 = vector.broadcast %reduce_sum3A_73 : f32 to vector<1x1xf32>
    %add3A_75 = arith.addf %get3A_68, %reshape3A_74 : vector<1x1xf32>
    %swap3A_76 = arith.constant 0 : index
    %swap3A_77 = arith.constant 0 : index
    %swap3A_78 = vector.load %arg12[%swap3A_76, %swap3A_77] : memref<1x1xf32, #tpu.memory_space<vmem>>, vector<1x1xf32>
    tpu.vector_store %arg12[%swap3A_76, %swap3A_77], %add3A_75 {strides = array<i32>} : memref<1x1xf32, #tpu.memory_space<vmem>>, vector<1x1xf32>,
    %eq3A_79 = arith.constant 63 : i32
    %eq3A_80 = arith.cmpi eq, %arg0, %eq3A_79 : i32
    %convert_element_type3A_81 = arith.extui %eq3A_80 : i1 to i32
    %cond3A_82 = arith.constant 0 : i32
    %cond3A_83 = arith.cmpi ne, %convert_element_type3A_81, %cond3A_82 : i32
    scf.if %cond3A_83 {
      %get3A_84 = arith.constant 0 : index
      %get3A_85 = arith.constant 0 : index
      %get3A_86 = vector.load %arg11[%get3A_84, %get3A_85] : memref<1x1024xf32, #tpu.memory_space<vmem>>, vector<1x1024xf32>
      %div3A = arith.constant 3.276800e+04 : f32
      %div3A_87 = vector.broadcast %div3A : f32 to vector<1x1024xf32>
      %div3A_88 = arith.divf %get3A_86, %div3A_87 : vector<1x1024xf32>
      %add3A_89 = arith.constant 1.000000e-10 : f32
      %add3A_90 = vector.broadcast %add3A_89 : f32 to vector<1x1024xf32>
      %add3A_91 = arith.addf %div3A_88, %add3A_90 : vector<1x1024xf32>
      %log3A = math.log %add3A_91 : vector<1x1024xf32>
      %mul3A_92 = arith.mulf %div3A_88, %log3A : vector<1x1024xf32>
      %reduce_sum3A_93 = vector.shape_cast %mul3A_92 : vector<1x1024xf32> to vector<1x1x1024xf32>
      %reduce_sum3A_94 = arith.constant dense<0.000000e+00> : vector<1xf32>
      %reduce_sum3A_95 = vector.multi_reduction <add>, %reduce_sum3A_93, %reduce_sum3A_94 [1, 2] : vector<1x1x1024xf32> to vector<1xf32>
      %reduce_sum3A_96 = vector.shape_cast %reduce_sum3A_95 : vector<1xf32> to vector<1x1x1xf32>
      %reduce_sum3A_97 = vector.extract %reduce_sum3A_96[0, 0, 0] : f32 from vector<1x1x1xf32>
      %neg3A = arith.constant 0.000000e+00 : f32
      %neg3A_98 = arith.subf %neg3A, %reduce_sum3A_97 : f32
      %exp3A = math.exp %neg3A_98 : f32
      %reshape3A_99 = vector.broadcast %exp3A : f32 to vector<1x1xf32>
      %swap3A_100 = arith.constant 0 : index
      %swap3A_101 = arith.constant 0 : index
      %swap3A_102 = vector.load %arg10[%swap3A_100, %swap3A_101] : memref<1x1xf32, #tpu.memory_space<vmem>>, vector<1x1xf32>
      tpu.vector_store %arg10[%swap3A_100, %swap3A_101], %reshape3A_99 {strides = array<i32>} : memref<1x1xf32, #tpu.memory_space<vmem>>, vector<1x1xf32>,
      %get3A_103 = arith.constant 0 : index
      %get3A_104 = arith.constant 0 : index
      %get3A_105 = vector.load %arg12[%get3A_103, %get3A_104] : memref<1x1xf32, #tpu.memory_space<vmem>>, vector<1x1xf32>
      %div3A_106 = arith.constant 0x4B000000 : f32
      %div3A_107 = vector.broadcast %div3A_106 : f32 to vector<1x1xf32>
      %div3A_108 = arith.divf %get3A_105, %div3A_107 : vector<1x1xf32>
      %mul3A_109 = arith.constant 2.500000e-01 : f32
      %mul3A_110 = vector.broadcast %mul3A_109 : f32 to vector<1x1xf32>
      %mul3A_111 = arith.mulf %mul3A_110, %div3A_108 : vector<1x1xf32>
      %add3A_112 = arith.addf %div3A_108, %mul3A_111 : vector<1x1xf32>
      %swap3A_113 = arith.constant 0 : index
      %swap3A_114 = arith.constant 0 : index
      %swap3A_115 = vector.load %arg9[%swap3A_113, %swap3A_114] : memref<1x1xf32, #tpu.memory_space<vmem>>, vector<1x1xf32>
      tpu.vector_store %arg9[%swap3A_113, %swap3A_114], %add3A_112 {strides = array<i32>} : memref<1x1xf32, #tpu.memory_space<vmem>>, vector<1x1xf32>,
    } else {
    }
    return
  }
  func.func @transform_0(%arg0: i32) -> (i32, i32) {
    %c0_i32 = arith.constant 0 : i32
    %c0_i32_0 = arith.constant 0 : i32
    return %c0_i32, %arg0 : i32, i32
  }
  func.func @transform_1(%arg0: i32) -> (i32, i32) {
    %c0_i32 = arith.constant 0 : i32
    %c0_i32_0 = arith.constant 0 : i32
    %c0_i32_1 = arith.constant 0 : i32
    return %c0_i32, %c0_i32_0 : i32, i32
  }
  func.func @transform_2(%arg0: i32) -> (i32, i32) {
    %c0_i32 = arith.constant 0 : i32
    %c0_i32_0 = arith.constant 0 : i32
    %c0_i32_1 = arith.constant 0 : i32
    return %c0_i32, %c0_i32_0 : i32, i32
  }
  func.func @transform_3(%arg0: i32) -> (i32, i32) {
    %c0_i32 = arith.constant 0 : i32
    %c0_i32_0 = arith.constant 0 : i32
    %c0_i32_1 = arith.constant 0 : i32
    return %c0_i32, %c0_i32_0 : i32, i32
  }
  func.func @transform_4(%arg0: i32) -> (i32, i32, i32) {
    %c0_i32 = arith.constant 0 : i32
    %c0_i32_0 = arith.constant 0 : i32
    %c0_i32_1 = arith.constant 0 : i32
    return %arg0, %c0_i32, %c0_i32_0 : i32, i32, i32
  }
  func.func @transform_5(%arg0: i32) -> (i32, i32, i32) {
    %c0_i32 = arith.constant 0 : i32
    %c0_i32_0 = arith.constant 0 : i32
    %c0_i32_1 = arith.constant 0 : i32
    return %arg0, %c0_i32, %c0_i32_0 : i32, i32, i32
  }
  func.func @transform_6(%arg0: i32) -> (i32, i32) {
    %c0_i32 = arith.constant 0 : i32
    %c0_i32_0 = arith.constant 0 : i32
    return %c0_i32, %arg0 : i32, i32
  }
  func.func @transform_7(%arg0: i32) -> (i32, i32, i32) {
    %c0_i32 = arith.constant 0 : i32
    %c0_i32_0 = arith.constant 0 : i32
    %c0_i32_1 = arith.constant 0 : i32
    return %arg0, %c0_i32, %c0_i32_0 : i32, i32, i32
  }
  func.func @transform_8(%arg0: i32) -> (i32, i32) {
    %c0_i32 = arith.constant 0 : i32
    %c0_i32_0 = arith.constant 0 : i32
    %c0_i32_1 = arith.constant 0 : i32
    return %c0_i32, %c0_i32_0 : i32, i32
  }
  func.func @transform_9(%arg0: i32) -> (i32, i32) {
    %c0_i32 = arith.constant 0 : i32
    %c0_i32_0 = arith.constant 0 : i32
    %c0_i32_1 = arith.constant 0 : i32
    return %c0_i32, %c0_i32_0 : i32, i32
  }
}

</mosaic_0001>

<sc_bundles>
// kernel: sparse-core-data-format-call.1.cloned.1.call-start
scs
called_computation.1_lowered:
.L_overlay_start_0:
0x0: {  	s2 =	sld [smem:$0x3FD9]  }
0x1: {  	s3 =	sld [smem:$0x3FFE];
	_ =	sdelay $0x1  }
0x2: {  	s1 =	srdreg.scid  }
0x3: {  	s0 =	sand.u32 $0x1, s1  }
0x4: {  	s16 =	sshll.u32 s0, $0xA;
	s2 =	sadd.s32 s3, s2  }
0x5: {  	s2 =	sadd.s32 s2, s16  }
0x6: {  	[smem:$0x3FC6] =	sst s2  }
0x7: {  	_ = 	snop  }
0x8: {  	s2 =	sld [smem:$0x3FD0];
	_ =	sdelay $0x2  }
0x9: {  	s4 =	simm.s32 $0xA;
	s5 =	simm.s32 $0x10;
	s17 =	sld [smem:$0x3FC9]  }
0xa: {  	[smem:s5], [sflag:s4] =	dma.local [hbm:s2], $0x1  }
0xb: {  	_ =	swait.eq [sflag:s4], $0x1  }
0xc: {  	[sflag:s4] =	ssyncset.done $0x0  }
0xd: {  	[sflag:s4] =	ssyncadd.s32 $0xFFFFFFFF  }
0xe: {  	s18 =	sld [smem:$0x11];
	(tm) =	ssettm $0x1  }
0xf: {  	s19 =	sld [smem:$0x3FFB];
	_ =	sdelay $0x3  }
0x10: {  	_ =	strace s19  }
0x11: {  	s4 =	sld [smem:$0x3FFC];
	_ =	sdelay $0x3  }
0x12: {  	_ =	strace s4  }
0x13: {  	s4 =	sld [smem:$0x3FFD];
	_ =	sdelay $0x3  }
0x14: {  	_ =	strace s4  }
0x15: {  	_ =	strace $0x8FFFFFFF  }
0x16: {  	s20 =	sld [smem:$0x3FDB];
	_ =	sdelay $0x1  }
0x17: {  	s21 =	simm.s32 $_scs_section_size  }
0x18: {  	s6 =	simm.s32 $_size__tile_overlayer_lowered;
	s7 =	simm.s32 $_tile_overlayer_lowered  }
0x19: {  	s24 =	simm.s32 $0x1BFF;
	s23 =	sshll.u32 s7, $0x1;
	s4 =	sadd.s32 s21, s20  }
0x1a: {  	s8 =	simm.s32 $0x0;
	s22 =	sshll.u32 s6, $0x1;
	s6 =	sadd.s32 s23, s4  }
0x1b: {  	[timem:s8], [sflag:s24] =	dma.local [hbm:s6], s22  }
0x1c: {  	_ =	swait.ge [sflag:s24], s22  }
0x1d: {  	s5 =	ssub.s32 $0x0, s22;
	[sflag:s24] =	ssyncset.done $0x0  }
0x1e: {  	[sflag:s24] =	ssyncadd.s32 s5;
	_ =	sdelay $0x1  }
0x1f: {  	s25 =	simm.s32 $0x1B8B  }
0x20: {  	_ =	swait.ge [sflag:s25], $0x1  }
0x21: {  	[sflag:s25] =	ssyncset.done $0x0  }
0x22: {  	s26 =	simm.s32 $0x1B8E;
	[sflag:s25] =	ssyncadd.s32 $0xFFFFFFFF  }
0x23: {  	s27 =	simm.s32 $execute0_lowered;
	[smem:$0x3FD2] =	sst s26  }
0x24: {  	s5 =	sshll.u32 s27, $0x1;
	_ =	strace $0x80000046;
	[dreg:$0x1] =	wrdreg $0xFFFFFFFF  }
0x25: {  	s28 =	simm.s32 $_size_execute0_lowered;
	s4 =	sadd.s32 s4, s5;
	[dreg:$0x0] =	wrdreg $0x0  }
0x26: {  	s5 =	sshll.u32 s28, $0x1;
	[dreg:$0x2] =	wrdreg s4  }
0x27: {  	[dreg:$0x3] =	wrdreg s5  }
0x28: {  	[dreg:$0x4] =	wrdreg $0xC0  }
0x29: {  	_ =	task [dreg:s8], $0x5FFFF  }
0x2a: {  	[dreg:$0x1] =	wrdreg $0xFFFFFFFF  }
0x2b: {  	[dreg:$0x0] =	wrdreg $0x60  }
0x2c: {  	[dreg:$0x2] =	wrdreg s17  }
0x2d: {  	[dreg:$0x3] =	wrdreg s18  }
0x2e: {  	[dreg:$0x4] =	wrdreg $0x9  }
0x2f: {  	_ =	task.clear_ibuf [dreg:s8], $0x5FFFF;
	_ =	strace $0x90000046  }
0x30: {  	s29 =	simm.s32 $0x9;
	_ =	strace $0x80000048  }
0x31: {  	_ =	swait.ge [sflag:s29], $0x1  }
0x32: {  	[sflag:s29] =	ssyncadd.s32 $0xFFFFFFFF  }
0x33: {  	_ =	strace $0x90000048  }
0x34: {  	_ =	sfence  }
0x35: {  	s30 =	sld [smem:$0x0];
	_ =	sdelay $0x2  }
0x36: {  	s31 =	sshll.u32 s1, $0xD;
	s1 =	sshrl.u32 s1, $0x2  }
0x37: {  	s3 =	sand.u32 $0x4000, s31;
	s1 =	sadd.s32 s1, s30  }
0x38: {  	s0 =	sor.u32 s3, s0;
	s1 =	sshll.u32 s1, $0x11  }
0x39: {  	s0 =	sor.u32 s1, s0  }
0x3a: {  	s0 =	sadd.s32 $0x8F2B, s0  }
0x3b: {  	[sflag:s0] =	ssyncadd.remote.s32 $0x1  }
0x3c: {  	_ =	sfence.sel $0xFFFF  }
0x3d: {  	[dreg:$0x0] =	wrdreg $0xFFFFFFFF;
	(pc) =	sbr.abs _section_cstart, $3  }
0x3e: {  	[dreg:$0x1] =	wrdreg $0xFFFFFFFF  }
0x3f: {  	_ =	task.clear_ibuf [dreg:s8], $0x2FFFF;
	_ =	strace $0x9FFFFFFF  }
0x40: {  	(tm) =	ssettm $0x7FFFFFFF  }
0x41: {  	_ =	shalt  }
tec
execute0_lowered:
.L_overlay_start_1:
0x0: {  	(tag) =	ssettag $0x1  }
0x1: {  	s2 =	rddreg [dreg:$0x0]  }
0x2: {  	s3 =	rddreg [dreg:$0x1]  }
0x3: {  	s0 =	rddreg [dreg:$0x2];
	_ =	strace $0x80000047  }
0x4: {  	s4 =	srdreg.scid;
	s1 =	stileid.u32;
	s6 =	simm.s32 $0x2  }
0x5: {  	s12 =	simm.s32 $0x0;
	p0 =	por $0x0, $0x0;
	s13 =	simm.s32 $0x0  }
.Ltmp0:
0x6: {  	s15 =	simm.s32 $0x0;
	s14 =	simm.s32 $0x0;
	(pc) =	sbr.rel .LBB1_1-.Ltmp0, $4  }
0x7: {  	s8 =	simm.s32 $0x0;
	s9 =	simm.s32 $0x0;
	s5 =	sshll.u32 s4, $0x4  }
0x8: {  	s10 =	simm.s32 $0x0;
	s4 =	simm.s32 $0x1;
	s5 =	sand.u32 $0x10, s5  }
0x9: {  	s7 =	simm.s32 $0x0;
	[sflag:s4] =	ssyncpa.u1 $0x0;
	s5 =	sor.u32 s1, s5  }
0xa: {  	[sflag:s6] =	ssyncpa.u1 $0x0;
	s6 =	simm.s32 $0x2000;
	s11 =	smov.u32 s5  }
.LBB1_7:
0xb: {  	s16 =	sadd.s32 $0x80, s8  }
0xc: {  	s12 =	sadd.s32 $0x20, s9;
	s17 =	smov.u32 s9;
	p2 =	sgt.s32 s16, $0x3FF  }
0xd: {  	s17 =	smov.u32 @p2 s12  }
0xe: {  	s18 =	smov.u32 s10;
	s12 =	sadd.s32 $0x4, s10;
	p3 =	sgt.s32 s17, $0x1F  }
0xf: {  	s18 =	smov.u32 @p3 s12  }
0x10: {  	s19 =	smov.u32 s11;
	s12 =	sadd.s32 $0x20, s11;
	p4 =	sgt.s32 s18, $0x7  }
0x11: {  	p1 =	slt.u32 s7, $0x2;
	s19 =	smov.u32 @p4 s12  }
0x12: {  	s7 =	sadd.s32 $0x1, s7;
	s16 =	simm.s32 @p2 $0x0;
	p2 =	sgt.s32 s19, $0x1F  }
0x13: {  	s20 =	simm.s32 @!p1 $0x2;
	s19 =	smov.u32 @p2 s5;
	p2 =	sne.s32 s7, $0x12  }
.Ltmp1:
0x14: {  	s13 =	smov.u32 s9;
	_ =	swait.ge @!p1 [sflag:s20], $0x4000;
	(pc) =	sbr.rel @!p2 .LBB1_8-.Ltmp1, $4  }
0x15: {  	s15 =	smov.u32 s10;
	s14 =	smov.u32 s11;
	[sflag:s20] =	ssyncset.done @!p1 $0x0  }
0x16: {  	p0 =	por !p0, !p0;
	s17 =	simm.s32 @p3 $0x0;
	[sflag:s20] =	ssyncadd.s32 @!p1 $0xFFFFC000  }
0x17: {  	s9 =	smov.u32 s17;
	s18 =	simm.s32 @p4 $0x0;
	s12 =	smov.u32 s8  }
0x18: {  	s8 =	smov.u32 s16;
	s10 =	smov.u32 s18;
	s11 =	smov.u32 s19  }
.LBB1_1:
0x19: {  	p1 =	sgt.u32 s7, $0xF  }
0x1a: {  	s16 =	sxor.u32 @!p1 $0xFFFFFFFF, s7;
	s17 =	sshll.u32 @!p1 s9, $0x7;
	s18 =	sand.u32 @!p1 $0x78, s8  }
0x1b: {  	s20 =	sshll.u32 @!p1 s10, $0xC;
	s16 =	sshll.u32 @!p1 s16, $0xE;
	s19 =	sand.u32 @!p1 $0x380, s17  }
0x1c: {  	s17 =	sand.u32 @!p1 $0xC00, s17;
	s18 =	sor.u32 @!p1 s18, s19;
	s19 =	sshll.u32 @!p1 s11, $0xF  }
0x1d: {  	s16 =	sand.u32 @!p1 $0x4000, s16;
	s17 =	sadd.s32 @!p1 s8, s17;
	s19 =	sadd.s32 @!p1 s2, s19  }
0x1e: {  	s18 =	sshrl.u32 @!p1 s18, $0x3;
	s19 =	sadd.s32 @!p1 s20, s19;
	s20 =	sand.u32 @!p1 $0x7, s8  }
0x1f: {  	s17 =	sand.u32 @!p1 $0xF80, s17;
	s18 =	sadd.s32 @!p1 s18, s19;
	s19 =	sshll.u32 @!p1 s20, $0x12  }
0x20: {  	s17 =	sadd.s32 @!p1 s17, s18;
	s18 =	sor.u32 @!p1 $0x400, s19;
	s19 =	simm.s32 @!p1 $0x2000  }
0x21: {  	[tilespmem:s16], [sflag:$0x1] =	stream.strided.gather @!p1 [hbm4b:s17+s18], $0x4000, s19, s18, $0x38;
	[tilespmem:$0x10000] =	vst v63  }
0x22: {  	p1 =	seq.s32 s7, $0x0  }
0x23: {  	p2 =	seq.s32 @!p1 s7, $0x11  }
0x24: {  	p1 =	por p1, p2  }
.Ltmp2:
0x25: {  	_ = 	snop;
	(pc) =	sbr.rel @p1 .LBB1_7-.Ltmp2, $1  }
0x26: {  	_ =	sdelay $0x3  }
0x27: {  	s16 =	simm.s32 $0x1;
	_ =	swait.ge [sflag:s4], $0x4000;
	s19 =	sshll.u32 s7, $0xE  }
0x28: {  	s16 =	simm.s32 @!p0 $0x0;
	[sflag:s4] =	ssyncset.done $0x0;
	s31 =	sand.u32 $0x4000, s19  }
0x29: {  	s19 =	simm.s32 $0x0;
	s16 =	sshll.u32 s16, $0xE;
	[sflag:s4] =	ssyncadd.s32 $0xFFFFC000  }
0x2a: {  	s17 =	sor.u32 $0x8040, s16;
	s18 =	sor.u32 $0x40, s16;
	s16 =	sor.u32 $0x8000, s31  }
.LBB1_3:
0x2b: {  	v0 =	vmov s18;
	_ =	sdelay $0x3  }
0x2c: {  	s21 =	simm.s32 $0x0  }
0x2d: {  	v6 =	vld.idx.msk [tilespmem:v0+s21+$0x30 ss:$0x1], $0xffff  }
0x2e: {  	v7 =	vld.idx.msk [tilespmem:v0+s21+$0xFFFFFFC0 ss:$0x1], $0xffff  }
0x2f: {  	v5 =	vld.idx.msk [tilespmem:v0+s21+$0xFFFFFFD0 ss:$0x1], $0xffff  }
0x30: {  	v4 =	vld.idx.msk [tilespmem:v0+s21+$0xFFFFFFE0 ss:$0x1], $0xffff  }
0x31: {  	v3 =	vld.idx.msk [tilespmem:v0+s21+$0xFFFFFFF0 ss:$0x1], $0xffff  }
0x32: {  	v1 =	vld.idx.msk [tilespmem:v0+s21+$0x0 ss:$0x1], $0xffff  }
0x33: {  	v2 =	vld.idx.msk [tilespmem:v0+s21+$0x10 ss:$0x1], $0xffff;
	[tilespmem:s17+$0x30] =	vst v6  }
0x34: {  	s20 =	simm.s32 $0x80;
	s22 =	simm.s32 $0x400;
	[tilespmem:s17+$0xFFFFFFC0] =	vst v7;
	v6 =	vld.idx.msk [tilespmem:v0+s21+$0x20 ss:$0x1], $0xffff;
	s21 =	smov.u32 s17  }
.LBB1_4:
0x35: {  	p1 =	sne.s32 s22, $0x3E00;
	v7 =	vld.idx.msk [tilespmem:v0+s20+$0x30 ss:$0x1], $0xffff;
	[tilespmem:s21+$0xFFFFFFD0] =	vst v5  }
0x36: {  	v8 =	vld.idx.msk [tilespmem:v0+s20+$0xFFFFFFC0 ss:$0x1], $0xffff;
	[tilespmem:s21+$0xFFFFFFE0] =	vst v4  }
0x37: {  	v5 =	vld.idx.msk [tilespmem:v0+s20+$0xFFFFFFD0 ss:$0x1], $0xffff;
	[tilespmem:s21+$0xFFFFFFF0] =	vst v3  }
.Ltmp3:
0x38: {  	v4 =	vld.idx.msk [tilespmem:v0+s20+$0xFFFFFFE0 ss:$0x1], $0xffff;
	[tilespmem:s21+$0x0] =	vst v1;
	(pc) =	sbr.rel @p1 .LBB1_4-.Ltmp3, $4  }
0x39: {  	v3 =	vld.idx.msk [tilespmem:v0+s20+$0xFFFFFFF0 ss:$0x1], $0xffff;
	[tilespmem:s21+$0x10] =	vst v2  }
0x3a: {  	v1 =	vld.idx.msk [tilespmem:v0+s20+$0x0 ss:$0x1], $0xffff;
	[tilespmem:s21+$0x20] =	vst v6;
	s21 =	sadd.s32 $0x200, s21  }
0x3b: {  	v2 =	vld.idx.msk [tilespmem:v0+s20+$0x10 ss:$0x1], $0xffff;
	[tilespmem:s21+$0x30] =	vst v7  }
0x3c: {  	[tilespmem:s21+$0xFFFFFFC0] =	vst v8;
	v6 =	vld.idx.msk [tilespmem:v0+s20+$0x20 ss:$0x1], $0xffff;
	s20 =	sshra.s32 s22, $0x2;
	s22 =	sadd.s32 $0x200, s22  }
0x3d: {  	_ =	sdelay $0x2  }
0x3e: {  	[tilespmem:s21+$0xFFFFFFD0] =	vst v5  }
0x3f: {  	v56 =	vld.idx.msk [tilespmem:v0+s20+$0x30 ss:$0x1], $0xffff;
	[tilespmem:s21+$0xFFFFFFE0] =	vst v4  }
0x40: {  	v57 =	vld.idx.msk [tilespmem:v0+s20+$0xFFFFFFC0 ss:$0x1], $0xffff;
	[tilespmem:s21+$0xFFFFFFF0] =	vst v3  }
0x41: {  	v58 =	vld.idx.msk [tilespmem:v0+s20+$0xFFFFFFD0 ss:$0x1], $0xffff;
	[tilespmem:s21+$0x0] =	vst v1  }
0x42: {  	v59 =	vld.idx.msk [tilespmem:v0+s20+$0xFFFFFFE0 ss:$0x1], $0xffff;
	[tilespmem:s21+$0x10] =	vst v2  }
0x43: {  	v60 =	vld.idx.msk [tilespmem:v0+s20+$0xFFFFFFF0 ss:$0x1], $0xffff;
	s31 =	sadd.s32 $0x200, s21;
	[tilespmem:s21+$0x20] =	vst v6  }
0x44: {  	v61 =	vld.idx.msk [tilespmem:v0+s20+$0x0 ss:$0x1], $0xffff;
	[tilespmem:s31+$0x30] =	vst v56  }
0x45: {  	v62 =	vld.idx.msk [tilespmem:v0+s20+$0x10 ss:$0x1], $0xffff;
	s19 =	sadd.s32 $0x1, s19;
	[tilespmem:s31+$0xFFFFFFC0] =	vst v57  }
0x46: {  	v63 =	vld.idx.msk [tilespmem:v0+s20+$0x20 ss:$0x1], $0xffff;
	p1 =	sne.s32 s19, $0x4;
	[tilespmem:s31+$0xFFFFFFD0] =	vst v58  }
.Ltmp4:
0x47: {  	[tilespmem:s31+$0xFFFFFFE0] =	vst v59;
	(pc) =	sbr.rel @p1 .LBB1_3-.Ltmp4, $4  }
0x48: {  	[tilespmem:s31+$0xFFFFFFF0] =	vst v60  }
0x49: {  	[tilespmem:s31+$0x0] =	vst v61  }
0x4a: {  	[tilespmem:s31+$0x10] =	vst v62  }
0x4b: {  	s17 =	sadd.s32 $0x80, s17;
	s18 =	sadd.s32 $0x1000, s18;
	[tilespmem:s31+$0x20] =	vst v63  }
0x4c: {  	s15 =	sshll.u32 s15, $0x7;
	s17 =	sand.u32 $0x78, s12  }
0x4d: {  	s14 =	sshll.u32 s14, $0xF;
	s13 =	sshll.u32 s13, $0xA;
	s29 =	sand.u32 $0x380, s12  }
.Ltmp5:
0x4e: {  	s15 =	sand.u32 $0x380, s15;
	s14 =	sadd.s32 s3, s14;
	(pc) =	sbr.rel .LBB1_7-.Ltmp5, $4  }
0x4f: {  	s30 =	sand.u32 $0x7, s12;
	s15 =	sor.u32 s15, s17;
	s13 =	sadd.s32 s13, s14  }
0x50: {  	s12 =	sshll.u32 s30, $0x12;
	s31 =	sshrl.u32 s15, $0x3;
	s13 =	sadd.s32 s29, s13  }
0x51: {  	s12 =	sor.u32 $0x200, s12;
	s13 =	sadd.s32 s31, s13  }
0x52: {  	[hbm4b:s13+s12] =	stream.strided.scatter [tilespmem:s16], [sflag:$0x2], $0x4000, s6, s12, $0x38;
	[tilespmem:$0x10000] =	vst v63  }
.LBB1_8:
0x53: {  	_ =	sfence.sel $0x180000  }
0x54: {  	s2 =	simm.s32 $0x1;
	[bflag:$0x0] =	sbarrier.arrive $0xFFFF  }
0x55: {  	s31 =	simm.s32 $0x2;
	[sflag:s2] =	ssyncpa.u1 $0x1  }
0x56: {  	[sflag:s31] =	ssyncpa.u1 $0x1  }
0x57: {  	p0 =	sne.s32 s1, $0x0;
	_ =	strace $0x90000047  }
0x58: {  	s0 =	sadd.s32 @!p0 $0x100000, s0;
	[bflag:$0x2] =	sbarrier.arrive $0xFFFF  }
0x59: {  	[sflag:s0] =	ssyncadd.tile.s32 @!p0 $0x1;
	_ =	shalt  }
.Lfunc_end1:
_tile_overlayer_lowered:
.L_overlay_start_2:
0x5a: {  	(tag) =	ssettag $0x2  }
0x5b: {  	s0 =	rddreg [dreg:$0x0];
	s2 =	stileid.u32  }
0x5c: {  	s1 =	rddreg [dreg:$0x1];
	p0 =	sne.s32 s2, $0x0  }
0x5d: {  	s3 =	rddreg [dreg:$0x2];
	[bflag:$0x3] =	sbarrier.arrive $0xFFFF;
	s2 =	simm.s32 @!p0 $0x1C01  }
0x5e: {  	[timem:s3], [sflag:s2] =	dma.local @!p0 [hbm:s0], s1  }
0x5f: {  	s0 =	simm.s32 @!p0 $0x1  }
0x60: {  	_ =	swait.ge @!p0 [sflag:s0], s1  }
0x61: {  	s1 =	ssub.s32 @!p0 $0x0, s1;
	[sflag:s0] =	ssyncset.done @!p0 $0x0  }
0x62: {  	[sflag:s0] =	ssyncadd.s32 @!p0 s1  }
0x63: {  	[bflag:$0x3] =	sbarrier.arrive $0xFFFF  }
0x64: {  	_ =	shalt  }

// kernel: sparse-core-data-format-call.cloned.1.call-start
scs
called_computation_lowered:
.L_overlay_start_0:
0x0: {  	s2 =	sld [smem:$0x3FD9]  }
0x1: {  	s3 =	sld [smem:$0x3FFE];
	_ =	sdelay $0x1  }
0x2: {  	s1 =	srdreg.scid  }
0x3: {  	s0 =	sand.u32 $0x1, s1  }
0x4: {  	s15 =	sshll.u32 s0, $0xA;
	s2 =	sadd.s32 s3, s2  }
0x5: {  	s2 =	sadd.s32 s2, s15  }
0x6: {  	[smem:$0x3FC6] =	sst s2  }
0x7: {  	_ = 	snop  }
0x8: {  	s2 =	sld [smem:$0x3FD0];
	_ =	sdelay $0x2  }
0x9: {  	s16 =	simm.s32 $0xA;
	s4 =	simm.s32 $0x10  }
0xa: {  	[smem:s4], [sflag:s16] =	dma.local [hbm:s2], $0x1  }
0xb: {  	_ =	swait.eq [sflag:s16], $0x1  }
0xc: {  	[sflag:s16] =	ssyncset.done $0x0  }
0xd: {  	[sflag:s16] =	ssyncadd.s32 $0xFFFFFFFF  }
0xe: {  	s17 =	sld [smem:$0x11];
	(tm) =	ssettm $0x1  }
0xf: {  	s18 =	sld [smem:$0x3FFB];
	_ =	sdelay $0x3  }
0x10: {  	_ =	strace s18  }
0x11: {  	s3 =	sld [smem:$0x3FFC];
	_ =	sdelay $0x3  }
0x12: {  	_ =	strace s3  }
0x13: {  	s3 =	sld [smem:$0x3FFD];
	_ =	sdelay $0x3  }
0x14: {  	_ =	strace s3  }
0x15: {  	_ =	strace $0x8FFFFFFF  }
0x16: {  	s19 =	sld [smem:$0x3FDB];
	_ =	sdelay $0x1  }
0x17: {  	s20 =	simm.s32 $_scs_section_size  }
0x18: {  	s5 =	simm.s32 $_size__tile_overlayer_lowered;
	s6 =	simm.s32 $_tile_overlayer_lowered  }
0x19: {  	s23 =	simm.s32 $0x1BFF;
	s22 =	sshll.u32 s6, $0x1;
	s3 =	sadd.s32 s20, s19  }
0x1a: {  	s7 =	simm.s32 $0x0;
	s21 =	sshll.u32 s5, $0x1;
	s5 =	sadd.s32 s22, s3  }
0x1b: {  	[timem:s7], [sflag:s23] =	dma.local [hbm:s5], s21  }
0x1c: {  	_ =	swait.ge [sflag:s23], s21  }
0x1d: {  	s4 =	ssub.s32 $0x0, s21;
	[sflag:s23] =	ssyncset.done $0x0  }
0x1e: {  	[sflag:s23] =	ssyncadd.s32 s4;
	_ =	sdelay $0x1  }
0x1f: {  	s24 =	simm.s32 $0x1B8B  }
0x20: {  	_ =	swait.ge [sflag:s24], $0x1  }
0x21: {  	[sflag:s24] =	ssyncset.done $0x0  }
0x22: {  	s26 =	simm.s32 $0x1B8E;
	s25 =	sld [smem:$0x3FFE];
	[sflag:s24] =	ssyncadd.s32 $0xFFFFFFFF  }
0x23: {  	s27 =	simm.s32 $execute0_lowered;
	[smem:$0x3FD2] =	sst s26  }
0x24: {  	s5 =	sshll.u32 s27, $0x1;
	_ =	strace $0x80000049;
	[dreg:$0x1] =	wrdreg $0xFFFFFFFF  }
0x25: {  	s28 =	simm.s32 $_size_execute0_lowered;
	s3 =	sadd.s32 s3, s5;
	[dreg:$0x0] =	wrdreg $0x0  }
0x26: {  	s5 =	sshll.u32 s28, $0x1;
	[dreg:$0x2] =	wrdreg s3  }
0x27: {  	[dreg:$0x3] =	wrdreg s5  }
0x28: {  	[dreg:$0x4] =	wrdreg $0xC0  }
0x29: {  	_ =	task [dreg:s7], $0x5FFFF  }
0x2a: {  	[dreg:$0x1] =	wrdreg $0xFFFFFFFF  }
0x2b: {  	[dreg:$0x0] =	wrdreg $0x60  }
0x2c: {  	[dreg:$0x2] =	wrdreg s25  }
0x2d: {  	[dreg:$0x3] =	wrdreg s17  }
0x2e: {  	[dreg:$0x4] =	wrdreg $0x9  }
0x2f: {  	_ =	task.clear_ibuf [dreg:s7], $0x5FFFF;
	_ =	strace $0x90000049  }
0x30: {  	s29 =	simm.s32 $0x9;
	_ =	strace $0x8000004B  }
0x31: {  	_ =	swait.ge [sflag:s29], $0x1  }
0x32: {  	[sflag:s29] =	ssyncadd.s32 $0xFFFFFFFF  }
0x33: {  	_ =	strace $0x9000004B  }
0x34: {  	_ =	sfence  }
0x35: {  	s30 =	sld [smem:$0x0];
	_ =	sdelay $0x2  }
0x36: {  	s31 =	sshll.u32 s1, $0xD;
	s1 =	sshrl.u32 s1, $0x2  }
0x37: {  	s3 =	sand.u32 $0x4000, s31;
	s1 =	sadd.s32 s1, s30  }
0x38: {  	s0 =	sor.u32 s3, s0;
	s1 =	sshll.u32 s1, $0x11  }
0x39: {  	s0 =	sor.u32 s1, s0  }
0x3a: {  	s0 =	sadd.s32 $0x8F2B, s0  }
0x3b: {  	[sflag:s0] =	ssyncadd.remote.s32 $0x1  }
0x3c: {  	_ =	sfence.sel $0xFFFF  }
0x3d: {  	[dreg:$0x0] =	wrdreg $0xFFFFFFFF;
	(pc) =	sbr.abs _section_cstart, $3  }
0x3e: {  	[dreg:$0x1] =	wrdreg $0xFFFFFFFF  }
0x3f: {  	_ =	task.clear_ibuf [dreg:s7], $0x2FFFF;
	_ =	strace $0x9FFFFFFF  }
0x40: {  	(tm) =	ssettm $0x7FFFFFFF  }
0x41: {  	_ =	shalt  }
tec
execute0_lowered:
.L_overlay_start_1:
0x0: {  	(tag) =	ssettag $0x1  }
0x1: {  	s1 =	rddreg [dreg:$0x0]  }
0x2: {  	s2 =	rddreg [dreg:$0x1]  }
0x3: {  	s0 =	rddreg [dreg:$0x2]  }
0x4: {  	_ =	strace $0x8000004A;
	s4 =	srdreg.scid;
	s6 =	simm.s32 $0x2  }
0x5: {  	s12 =	simm.s32 $0x0;
	p0 =	por $0x0, $0x0;
	s13 =	simm.s32 $0x0  }
0x6: {  	s15 =	simm.s32 $0x0;
	s14 =	simm.s32 $0x0;
	s8 =	simm.s32 $0x0  }
.Ltmp0:
0x7: {  	s9 =	simm.s32 $0x0;
	s10 =	simm.s32 $0x0;
	(pc) =	sbr.rel .LBB1_1-.Ltmp0, $4  }
0x8: {  	s7 =	simm.s32 $0x0;
	s3 =	sadd.s32 $0x800, s1;
	s5 =	sshll.u32 s4, $0x4  }
0x9: {  	s1 =	stileid.u32;
	s4 =	simm.s32 $0x1;
	s5 =	sand.u32 $0x10, s5  }
0xa: {  	s21 =	simm.s32 $0x0;
	[sflag:s4] =	ssyncpa.u1 $0x0;
	s5 =	sor.u32 s1, s5  }
0xb: {  	[sflag:s6] =	ssyncpa.u1 $0x0;
	s6 =	simm.s32 $0x8000;
	s11 =	smov.u32 s5  }
.LBB1_7:
0xc: {  	s16 =	sadd.s32 $0x100, s8  }
0xd: {  	s12 =	sadd.s32 $0x8, s9;
	s17 =	smov.u32 s9;
	p2 =	sgt.s32 s16, $0x3FF  }
0xe: {  	s17 =	smov.u32 @p2 s12  }
0xf: {  	s18 =	smov.u32 s10;
	s12 =	sadd.s32 $0x8, s10;
	p3 =	sgt.s32 s17, $0x7  }
0x10: {  	s18 =	smov.u32 @p3 s12  }
0x11: {  	s19 =	smov.u32 s11;
	s12 =	sadd.s32 $0x20, s11;
	p4 =	sgt.s32 s18, $0x1F  }
0x12: {  	p1 =	slt.u32 s7, $0x2;
	s19 =	smov.u32 @p4 s12  }
0x13: {  	s7 =	sadd.s32 $0x1, s7;
	s16 =	simm.s32 @p2 $0x0;
	p2 =	sgt.s32 s19, $0x1F  }
0x14: {  	s20 =	simm.s32 @!p1 $0x2;
	s19 =	smov.u32 @p2 s5;
	p2 =	sne.s32 s7, $0x12  }
.Ltmp1:
0x15: {  	s13 =	smov.u32 s9;
	_ =	swait.ge @!p1 [sflag:s20], $0x4000;
	(pc) =	sbr.rel @!p2 .LBB1_8-.Ltmp1, $4  }
0x16: {  	s15 =	smov.u32 s10;
	s14 =	smov.u32 s11;
	[sflag:s20] =	ssyncset.done @!p1 $0x0  }
0x17: {  	p0 =	por !p0, !p0;
	s17 =	simm.s32 @p3 $0x0;
	[sflag:s20] =	ssyncadd.s32 @!p1 $0xFFFFC000  }
0x18: {  	s9 =	smov.u32 s17;
	s18 =	simm.s32 @p4 $0x0;
	s12 =	smov.u32 s8  }
0x19: {  	s8 =	smov.u32 s16;
	s10 =	smov.u32 s18;
	s11 =	smov.u32 s19  }
.LBB1_1:
0x1a: {  	p1 =	sgt.u32 s7, $0xF  }
0x1b: {  	s16 =	sxor.u32 @!p1 $0xFFFFFFFF, s7  }
0x1c: {  	s17 =	sshll.u32 @!p1 s9, $0x7;
	s18 =	sand.u32 @!p1 $0x78, s8;
	s19 =	sshll.u32 @!p1 s11, $0xF  }
0x1d: {  	s20 =	sand.u32 @!p1 $0x380, s8;
	s16 =	sshll.u32 @!p1 s16, $0xE;
	s17 =	sand.u32 @!p1 $0x380, s17  }
0x1e: {  	s19 =	sadd.s32 @!p1 s3, s19;
	s17 =	sor.u32 @!p1 s18, s17;
	s18 =	sshll.u32 @!p1 s10, $0xA  }
0x1f: {  	s16 =	sand.u32 @!p1 $0x4000, s16;
	s18 =	sadd.s32 @!p1 s18, s19;
	s19 =	sand.u32 @!p1 $0x7, s8  }
0x20: {  	s17 =	sshrl.u32 @!p1 s17, $0x3;
	s18 =	sadd.s32 @!p1 s20, s18;
	s19 =	sshll.u32 @!p1 s19, $0x12  }
0x21: {  	s17 =	sadd.s32 @!p1 s17, s18;
	s18 =	sor.u32 @!p1 $0x800, s19;
	s19 =	simm.s32 @!p1 $0x2000  }
0x22: {  	[tilespmem:s16], [sflag:$0x1] =	stream.strided.gather @!p1 [hbm4b:s17+s18], $0x4000, s19, s18, $0x38;
	[tilespmem:$0x10000] =	vst v63  }
0x23: {  	p1 =	seq.s32 s7, $0x0  }
0x24: {  	p2 =	seq.s32 @!p1 s7, $0x11  }
0x25: {  	p1 =	por p1, p2  }
.Ltmp2:
0x26: {  	_ = 	snop;
	(pc) =	sbr.rel @p1 .LBB1_7-.Ltmp2, $1  }
0x27: {  	_ =	sdelay $0x3  }
0x28: {  	s16 =	simm.s32 $0x1  }
0x29: {  	_ =	swait.ge [sflag:s4], $0x4000;
	s31 =	sshll.u32 s7, $0xE;
	p1 =	por $0x0, $0x0  }
0x2a: {  	s22 =	simm.s32 $0x0;
	s23 =	simm.s32 $0x0;
	s16 =	simm.s32 @!p0 $0x0  }
0x2b: {  	[sflag:s4] =	ssyncset.done $0x0;
	s19 =	sand.u32 $0x4000, s31;
	s16 =	sshll.u32 s16, $0x10  }
0x2c: {  	[sflag:s4] =	ssyncadd.s32 $0xFFFFC000;
	s20 =	sshrl.u32 s16, $0x2;
	s16 =	sor.u32 $0x8000, s19  }
0x2d: {  	s17 =	sor.u32 $0x40, s20;
	s18 =	sor.u32 $0x8410, s20;
	s20 =	sadd.s32 $0x8400, s20  }
.LBB1_3:
0x2e: {  	v1 =	vld [tilespmem:s17+$0xFFFFFFD0]  }
0x2f: {  	v2 =	vld [tilespmem:s17+$0x430]  }
0x30: {  	s24 =	sshll.u32 s23, $0xB;
	v4 =	vld [tilespmem:s17+$0xFFFFFFE0]  }
0x31: {  	v7 =	vld [tilespmem:s17+$0xFFFFFFF0];
	v0 =	vmov s24  }
0x32: {  	v8 =	vld [tilespmem:s17+$0x0]  }
0x33: {  	s30 =	sand.u32 $0x300, s21;
	v9 =	vld [tilespmem:s17+$0x10]  }
0x34: {  	s25 =	sand.u32 $0x80, s21;
	v10 =	vld [tilespmem:s17+$0x20];
	s24 =	sadd.s32 s30, s19  }
0x35: {  	v11 =	vld [tilespmem:s17+$0x30];
	s24 =	sadd.s32 s25, s24;
	s25 =	simm.s32 $0x1;
	[tilespmem:s18+$0x60] =	vst v2  }
0x36: {  	s31 =	sshll.u32 s22, $0x2;
	s25 =	simm.s32 @!p1 $0x0;
	[tilespmem:s18+$0xFFFFFC00] =	vst v1;
	v3 =	vld.idx.msk [tilespmem:v0+s24+$0x400 ss:$0x1], $0xffff  }
0x37: {  	v6 =	vld [tilespmem:s17+$0x3D0];
	s25 =	sshll.u32 s25, $0x9;
	[tilespmem:s18+$0xFFFFFC10] =	vst v4;
	s24 =	sand.u32 $0xFFFFFC00, s31  }
0x38: {  	v5 =	vld [tilespmem:s17+$0x3E0];
	[tilespmem:s18+$0xFFFFFC20] =	vst v7;
	s24 =	sor.u32 s25, s24  }
0x39: {  	[tilespmem:s18+$0xFFFFFC30] =	vst v8;
	v4 =	vld [tilespmem:s17+$0x400];
	s24 =	sshrl.u32 s24, $0x2  }
0x3a: {  	[tilespmem:s18+$0xFFFFFC40] =	vst v9;
	v1 =	vld [tilespmem:s17+$0x410];
	s24 =	sadd.s32 s24, s20  }
0x3b: {  	[tilespmem:s24+$0x0] =	vst v3;
	v3 =	vld [tilespmem:s17+$0x3F0]  }
0x3c: {  	s28 =	simm.s32 $0x80;
	s27 =	simm.s32 $0x100;
	[tilespmem:s18+$0xFFFFFC50] =	vst v10;
	v2 =	vld [tilespmem:s17+$0x420]  }
0x3d: {  	s26 =	smov.u32 s18;
	s29 =	sand.u32 $0x300, s28;
	v7 =	vld [tilespmem:s17+$0xFFFFFFC0];
	[tilespmem:s18+$0xFFFFFC60] =	vst v11;
	s25 =	sadd.s32 $0x80, s17  }
.LBB1_4:
0x3e: {  	p2 =	sne.s32 s27, $0x380;
	v8 =	vld [tilespmem:s25+$0xFFFFFFD0];
	s28 =	sand.u32 $0x80, s28;
	s29 =	sadd.s32 s29, s19;
	[tilespmem:s26+$0x0] =	vst v6  }
0x3f: {  	s29 =	sadd.s32 s28, s29;
	v6 =	vld [tilespmem:s25+$0x430];
	[tilespmem:s26+$0x10] =	vst v5;
	s28 =	smov.u32 s27  }
0x40: {  	v5 =	vld.idx.msk [tilespmem:v0+s29+$0x400 ss:$0x1], $0xffff;
	[tilespmem:s26+$0x20] =	vst v3  }
0x41: {  	v3 =	vld [tilespmem:s25+$0xFFFFFFE0];
	[tilespmem:s26+$0x30] =	vst v4  }
0x42: {  	v4 =	vld [tilespmem:s25+$0xFFFFFFF0];
	[tilespmem:s26+$0xFFFFFBF0] =	vst v7  }
0x43: {  	v7 =	vld [tilespmem:s25+$0x0];
	[tilespmem:s26+$0x40] =	vst v1  }
0x44: {  	v1 =	vld [tilespmem:s25+$0x10];
	[tilespmem:s26+$0x50] =	vst v2;
	s26 =	sadd.s32 $0x800, s26  }
0x45: {  	s24 =	sadd.s32 $0x800, s24;
	v2 =	vld [tilespmem:s25+$0x20];
	[tilespmem:s26+$0x60] =	vst v6  }
0x46: {  	v9 =	vld [tilespmem:s25+$0x30];
	[tilespmem:s24+$0x0] =	vst v5  }
0x47: {  	[tilespmem:s26+$0xFFFFFC00] =	vst v8;
	v6 =	vld [tilespmem:s25+$0x3D0]  }
0x48: {  	[tilespmem:s26+$0xFFFFFC10] =	vst v3;
	v5 =	vld [tilespmem:s25+$0x3E0]  }
.Ltmp3:
0x49: {  	[tilespmem:s26+$0xFFFFFC20] =	vst v4;
	v3 =	vld [tilespmem:s25+$0x3F0];
	(pc) =	sbr.rel @p2 .LBB1_4-.Ltmp3, $4  }
0x4a: {  	[tilespmem:s26+$0xFFFFFC30] =	vst v7;
	v4 =	vld [tilespmem:s25+$0x400]  }
0x4b: {  	[tilespmem:s26+$0xFFFFFC40] =	vst v1;
	v1 =	vld [tilespmem:s25+$0x410]  }
0x4c: {  	[tilespmem:s26+$0xFFFFFC50] =	vst v2;
	v2 =	vld [tilespmem:s25+$0x420]  }
0x4d: {  	s27 =	sadd.s32 $0x80, s27;
	s29 =	sand.u32 $0x300, s28;
	v7 =	vld [tilespmem:s25+$0xFFFFFFC0];
	[tilespmem:s26+$0xFFFFFC60] =	vst v9;
	s25 =	sadd.s32 $0x80, s25  }
0x4e: {  	[tilespmem:s26+$0x0] =	vst v6  }
0x4f: {  	[tilespmem:s26+$0x10] =	vst v5  }
0x50: {  	v49 =	vld [tilespmem:s25+$0x430];
	[tilespmem:s26+$0x20] =	vst v3  }
0x51: {  	v50 =	vld [tilespmem:s25+$0xFFFFFFD0];
	[tilespmem:s26+$0x30] =	vst v4  }
0x52: {  	v51 =	vld [tilespmem:s25+$0xFFFFFFE0];
	[tilespmem:s26+$0x40] =	vst v1  }
0x53: {  	v52 =	vld [tilespmem:s25+$0xFFFFFFF0];
	[tilespmem:s26+$0x50] =	vst v2  }
0x54: {  	s31 =	sadd.s32 $0x800, s26;
	v53 =	vld [tilespmem:s25+$0x0];
	[tilespmem:s26+$0xFFFFFBF0] =	vst v7  }
0x55: {  	v54 =	vld [tilespmem:s25+$0x10];
	[tilespmem:s31+$0x60] =	vst v49  }
0x56: {  	v55 =	vld [tilespmem:s25+$0x20];
	[tilespmem:s31+$0xFFFFFC00] =	vst v50  }
0x57: {  	v56 =	vld [tilespmem:s25+$0x30];
	[tilespmem:s31+$0xFFFFFC10] =	vst v51  }
0x58: {  	v57 =	vld [tilespmem:s25+$0x3D0];
	[tilespmem:s31+$0xFFFFFC20] =	vst v52  }
0x59: {  	v58 =	vld [tilespmem:s25+$0x3E0];
	[tilespmem:s31+$0xFFFFFC30] =	vst v53  }
0x5a: {  	v59 =	vld [tilespmem:s25+$0x3F0];
	[tilespmem:s31+$0xFFFFFC40] =	vst v54  }
0x5b: {  	v60 =	vld [tilespmem:s25+$0x400];
	[tilespmem:s31+$0xFFFFFC50] =	vst v55  }
0x5c: {  	v61 =	vld [tilespmem:s25+$0xFFFFFFC0];
	[tilespmem:s31+$0xFFFFFC60] =	vst v56  }
0x5d: {  	s27 =	sand.u32 $0x80, s28;
	s30 =	sadd.s32 s29, s19;
	v62 =	vld [tilespmem:s25+$0x410];
	[tilespmem:s31+$0x0] =	vst v57  }
0x5e: {  	v63 =	vld [tilespmem:s25+$0x420];
	s23 =	sadd.s32 $0x1, s23;
	s27 =	sadd.s32 s27, s30;
	[tilespmem:s31+$0x10] =	vst v58  }
0x5f: {  	p2 =	sne.s32 s23, $0x8;
	v0 =	vld.idx.msk [tilespmem:v0+s27+$0x400 ss:$0x1], $0xffff;
	[tilespmem:s31+$0x20] =	vst v59  }
.Ltmp4:
0x60: {  	[tilespmem:s31+$0x30] =	vst v60;
	(pc) =	sbr.rel @p2 .LBB1_3-.Ltmp4, $4  }
0x61: {  	[tilespmem:s31+$0xFFFFFBF0] =	vst v61  }
0x62: {  	[tilespmem:s31+$0x40] =	vst v62  }
0x63: {  	s24 =	sadd.s32 $0x800, s24;
	s17 =	sadd.s32 $0x800, s17;
	[tilespmem:s31+$0x50] =	vst v63  }
0x64: {  	s22 =	sadd.s32 $0x80, s22;
	p1 =	por !p1, !p1;
	s18 =	sadd.s32 $0x80, s18;
	[tilespmem:s24+$0x0] =	vst v0  }
0x65: {  	s15 =	sshll.u32 s15, $0x7  }
0x66: {  	s17 =	sand.u32 $0x78, s12;
	s14 =	sshll.u32 s14, $0xF;
	s13 =	sshll.u32 s13, $0xC  }
0x67: {  	s30 =	sand.u32 $0x7, s12;
	s18 =	sand.u32 $0x380, s15;
	s15 =	sand.u32 $0xC00, s15  }
.Ltmp5:
0x68: {  	s14 =	sadd.s32 s2, s14;
	s17 =	sor.u32 s18, s17;
	(pc) =	sbr.rel .LBB1_7-.Ltmp5, $4  }
0x69: {  	s15 =	sadd.s32 s12, s15;
	s13 =	sadd.s32 s13, s14;
	s17 =	sshrl.u32 s17, $0x3  }
0x6a: {  	s12 =	sshll.u32 s30, $0x12;
	s31 =	sand.u32 $0xF80, s15;
	s13 =	sadd.s32 s17, s13  }
0x6b: {  	s12 =	sor.u32 $0x800, s12;
	s13 =	sadd.s32 s31, s13  }
0x6c: {  	[hbm4b:s13+s12] =	stream.strided.scatter [tilespmem:s16], [sflag:$0x2], $0x4000, s6, s12, $0x38;
	[tilespmem:$0x10000] =	vst v63  }
.LBB1_8:
0x6d: {  	_ =	sfence.sel $0x180000  }
0x6e: {  	s2 =	simm.s32 $0x1;
	[bflag:$0x0] =	sbarrier.arrive $0xFFFF  }
0x6f: {  	s31 =	simm.s32 $0x2;
	[sflag:s2] =	ssyncpa.u1 $0x1  }
0x70: {  	[sflag:s31] =	ssyncpa.u1 $0x1  }
0x71: {  	p0 =	sne.s32 s1, $0x0;
	_ =	strace $0x9000004A  }
0x72: {  	s0 =	sadd.s32 @!p0 $0x100000, s0;
	[bflag:$0x2] =	sbarrier.arrive $0xFFFF  }
0x73: {  	[sflag:s0] =	ssyncadd.tile.s32 @!p0 $0x1;
	_ =	shalt  }
.Lfunc_end1:
_tile_overlayer_lowered:
.L_overlay_start_2:
0x74: {  	(tag) =	ssettag $0x2  }
0x75: {  	s0 =	rddreg [dreg:$0x0];
	s2 =	stileid.u32  }
0x76: {  	s1 =	rddreg [dreg:$0x1];
	p0 =	sne.s32 s2, $0x0  }
0x77: {  	s3 =	rddreg [dreg:$0x2];
	[bflag:$0x3] =	sbarrier.arrive $0xFFFF;
	s2 =	simm.s32 @!p0 $0x1C01  }
0x78: {  	[timem:s3], [sflag:s2] =	dma.local @!p0 [hbm:s0], s1  }
0x79: {  	s0 =	simm.s32 @!p0 $0x1  }
0x7a: {  	_ =	swait.ge @!p0 [sflag:s0], s1  }
0x7b: {  	s1 =	ssub.s32 @!p0 $0x0, s1;
	[sflag:s0] =	ssyncset.done @!p0 $0x0  }
0x7c: {  	[sflag:s0] =	ssyncadd.s32 @!p0 s1  }
0x7d: {  	[bflag:$0x3] =	sbarrier.arrive $0xFFFF  }
0x7e: {  	_ =	shalt  }

</sc_bundles>
